<compile_context>
chip_gen: v7x
topology: tpu7x:2x2x1
jax: 0.10.2.dev20260603
libtpu: 0.0.44.dev20260713+nightly
codegen_flags: <defaults>
</compile_context>

<pallas_src>
import functools

import jax
import jax.numpy as jnp
from jax import lax
from jax.experimental import pallas as pl
from jax.experimental.pallas import tpu as pltpu
from jax.experimental.pallas import tpu_sc as plsc

N = 10000
E = 320000
D = 128
ALPHA = 0.2

NC, NS, L = 2, 16, 16
NW = NC * NS
NPAD = 10240
ROWS_PER_TILE = NPAD // NS
EPW = E // NW
CHUNK = 80
NCHUNKS = EPW // CHUNK


def _tc_prep(x_ref, w_ref, a_ref, h_ref, s1_ref, s2_ref, c_ref):
    h = jnp.dot(x_ref[...], w_ref[...], preferred_element_type=jnp.float32)
    h_ref[...] = h
    a = a_ref[...]
    s1 = jnp.sum(h * a[:D, 0][None, :], axis=1)
    s2 = jnp.sum(h * a[D:, 0][None, :], axis=1)
    s1_ref[...] = s1
    s2_ref[...] = s2
    m = jnp.max(s1) + jnp.max(s2)
    c_ref[...] = jnp.full((16,), jnp.where(m >= 0.0, m, ALPHA * m),
                          dtype=jnp.float32)


def _sc_edges(h_hbm, row_hbm, col_hbm, s1_hbm, s2_hbm, c_hbm,
              znd_hbm, zn_hbm, u_out, rs_out,
              s1_v, s2_v, c_v, row_v, col_v, rows_v, w_v,
              u_sh, rs_sh, sem):
    cid = lax.axis_index("c")
    sid = lax.axis_index("s")
    wid = cid * NS + sid
    pltpu.sync_copy(s1_hbm, s1_v)
    pltpu.sync_copy(s2_hbm, s2_v)
    pltpu.sync_copy(c_hbm, c_v)
    r0 = sid * ROWS_PER_TILE
    pltpu.sync_copy(znd_hbm.at[pl.ds(r0, ROWS_PER_TILE)],
                    u_sh.at[pl.ds(r0, ROWS_PER_TILE)])
    pltpu.sync_copy(zn_hbm.at[pl.ds(r0, ROWS_PER_TILE)],
                    rs_sh.at[pl.ds(r0, ROWS_PER_TILE)])
    plsc.subcore_barrier()

    cvec = c_v[pl.ds(0, L)]
    base = wid * EPW

    def chunk_body(g, carry):
        off = base + g * CHUNK
        pltpu.sync_copy(row_hbm.at[pl.ds(off, CHUNK)], row_v)
        pltpu.sync_copy(col_hbm.at[pl.ds(off, CHUNK)], col_v)
        pltpu.async_copy(h_hbm.at[col_v], rows_v, sem).wait()
        for i in range(CHUNK // L):
            idxr = row_v[pl.ds(i * L, L)]
            idxc = col_v[pl.ds(i * L, L)]
            e = plsc.load_gather(s1_v, [idxr]) + plsc.load_gather(s2_v, [idxc])
            e = jnp.where(e >= 0.0, e, ALPHA * e)
            w_v[pl.ds(i * L, L)] = jnp.exp(e - cvec)

        def scale_body(ei, c2):
            ws = plsc.load_gather(w_v, [jnp.full((L,), ei, jnp.int32)])
            for j in range(D // L):
                rows_v[ei, pl.ds(j * L, L)] = rows_v[ei, pl.ds(j * L, L)] * ws
            return c2

        lax.fori_loop(0, CHUNK, scale_body, 0)
        pltpu.sync_copy(rows_v, u_sh.at[row_v], add=True)
        pltpu.sync_copy(w_v, rs_sh.at[row_v], add=True)
        return carry

    lax.fori_loop(0, NCHUNKS, chunk_body, 0)
    plsc.subcore_barrier()
    pltpu.sync_copy(u_sh.at[pl.ds(r0, ROWS_PER_TILE)],
                    u_out.at[cid, pl.ds(r0, ROWS_PER_TILE)])
    pltpu.sync_copy(rs_sh.at[pl.ds(r0, ROWS_PER_TILE)],
                    rs_out.at[cid, pl.ds(r0, ROWS_PER_TILE)])


_sc_edges_call = functools.partial(
    pl.kernel,
    out_type=[jax.ShapeDtypeStruct((NC, NPAD, D), jnp.float32),
              jax.ShapeDtypeStruct((NC, NPAD), jnp.float32)],
    mesh=plsc.VectorSubcoreMesh(core_axis_name="c", subcore_axis_name="s"),
    compiler_params=pltpu.CompilerParams(needs_layout_passes=False),
    scratch_types=[
        pltpu.VMEM((N,), jnp.float32),
        pltpu.VMEM((N,), jnp.float32),
        pltpu.VMEM((16,), jnp.float32),
        pltpu.VMEM((CHUNK,), jnp.int32),
        pltpu.VMEM((CHUNK,), jnp.int32),
        pltpu.VMEM((CHUNK, D), jnp.float32),
        pltpu.VMEM((CHUNK,), jnp.float32),
        pltpu.VMEM_SHARED((NPAD, D), jnp.float32),
        pltpu.VMEM_SHARED((NPAD,), jnp.float32),
        pltpu.SemaphoreType.DMA,
    ],
)(_sc_edges)


def _tc_final(u_ref, rs_ref, o_ref):
    u = u_ref[0] + u_ref[1]
    rs = jnp.clip(rs_ref[0] + rs_ref[1], 1e-8, None)
    hp = u / rs[:, None]
    o_ref[...] = jnp.where(hp > 0.0, hp, jnp.exp(jnp.minimum(hp, 0.0)) - 1.0)


def kernel(x, edge_index, W, a):
    h, s1, s2, c = pl.pallas_call(
        _tc_prep,
        out_shape=[
            jax.ShapeDtypeStruct((N, D), jnp.float32),
            jax.ShapeDtypeStruct((N,), jnp.float32),
            jax.ShapeDtypeStruct((N,), jnp.float32),
            jax.ShapeDtypeStruct((16,), jnp.float32),
        ],
    )(x, W, a)
    row = edge_index[0]
    col = edge_index[1]
    znd = jnp.zeros((NPAD, D), jnp.float32)
    zn = jnp.zeros((NPAD,), jnp.float32)
    u_parts, rs_parts = _sc_edges_call(h, row, col, s1, s2, c, znd, zn)
    out = pl.pallas_call(
        _tc_final,
        out_shape=jax.ShapeDtypeStruct((NPAD, D), jnp.float32),
    )(u_parts, rs_parts)
    return out[:N]

# --- scband reference (transcript-rebuilt; emitter-appended) ---
"""Pipeline reference for scband-graph-attention-layer-16698832847056 (READ-ONLY COPY).

The authoritative reference and input builder live on the scoring server;
editing this copy changes nothing except your own understanding.
"""

import jax, jax.numpy as jnp
import numpy as np

N = 10000
E = 320000
D_IN = 128
D_OUT = 128
ALPHA = 0.2


def setup_inputs(seed: int = 0) -> dict:
    key = jax.random.key(seed)
    k1, k2, k3, k4 = jax.random.split(key, 4)
    x = jax.random.normal(k1, (N, D_IN), dtype=jnp.float32)
    edge_index = jax.random.randint(k2, (2, E), 0, N, dtype=jnp.int32)
    stdv_w = 1.0 / (D_OUT ** 0.5)
    W = jax.random.uniform(k3, (D_IN, D_OUT), minval=-stdv_w, maxval=stdv_w, dtype=jnp.float32)
    stdv_a = 1.0 / ((2 * D_OUT) ** 0.5)
    a = jax.random.uniform(k4, (2 * D_OUT, 1), minval=-stdv_a, maxval=stdv_a, dtype=jnp.float32)
    return {"x": x, "edge_index": edge_index, "W": W, "a": a}


def reference(x, edge_index, W, a):
    # h = input @ W
    h = jnp.dot(x, W)
    n = h.shape[0]
    row = edge_index[0]
    col = edge_index[1]
    # gather endpoint features per edge
    h_row = jnp.take(h, row, axis=0)
    h_col = jnp.take(h, col, axis=0)
    edge_features = jnp.concatenate([h_row, h_col], axis=1)
    e = jnp.squeeze(jnp.dot(edge_features, a), axis=-1)
    e = jax.nn.leaky_relu(e, negative_slope=ALPHA)
    # numerically-stable segment softmax over destination rows
    row_max = jax.ops.segment_max(e, row, num_segments=n)
    row_max = jnp.where(jnp.isfinite(row_max), row_max, 0.0)
    e_exp = jnp.exp(e - jnp.take(row_max, row, axis=0))
    row_sum = jax.ops.segment_sum(e_exp, row, num_segments=n)
    row_sum = jnp.clip(row_sum, 1e-08, None)
    attention_weights = e_exp / jnp.take(row_sum, row, axis=0)
    # dropout p=0.0 (eval) -> identity
    # sparse attention @ h  ==  scatter-add of attn * h[col] into rows
    h_prime = jnp.zeros((n, h.shape[1]), dtype=h.dtype).at[row].add(attention_weights[:, None] * h_col)
    # concat=True -> elu
    return jax.nn.elu(h_prime)

if __name__ == "__main__":
    import jax
    _d = setup_inputs()
    print(jax.jit(kernel)(*tuple(_d.values())))

</pallas_src>

<mosaic_0001>
#map = affine_map<(d0, d1) -> (0, 0)>
#map1 = affine_map<(d0, d1) -> (0)>
#map2 = affine_map<(d0, d1) -> (0, 0, 0)>
module attributes {stable_mosaic.version = 14 : i64} {
  func.func @_sc_edges(%arg0: i32, %arg1: i32, %arg2: memref<10000x128xf32, #tpu.memory_space<hbm>>, %arg3: memref<320000xi32, #tpu.memory_space<hbm>>, %arg4: memref<320000xi32, #tpu.memory_space<hbm>>, %arg5: memref<10000xf32, #tpu.memory_space<hbm>>, %arg6: memref<10000xf32, #tpu.memory_space<hbm>>, %arg7: memref<16xf32, #tpu.memory_space<hbm>>, %arg8: memref<10240x128xf32, #tpu.memory_space<hbm>>, %arg9: memref<10240xf32, #tpu.memory_space<hbm>>, %arg10: memref<2x10240x128xf32, #tpu.memory_space<hbm>>, %arg11: memref<2x10240xf32, #tpu.memory_space<hbm>>, %arg12: memref<10000xf32, #tpu.memory_space<vmem>>, %arg13: memref<10000xf32, #tpu.memory_space<vmem>>, %arg14: memref<16xf32, #tpu.memory_space<vmem>>, %arg15: memref<80xi32, #tpu.memory_space<vmem>>, %arg16: memref<80xi32, #tpu.memory_space<vmem>>, %arg17: memref<80x128xf32, #tpu.memory_space<vmem>>, %arg18: memref<80xf32, #tpu.memory_space<vmem>>, %arg19: memref<10240x128xf32, #tpu.memory_space<vmem_shared>>, %arg20: memref<10240xf32, #tpu.memory_space<vmem_shared>>, %arg21: memref<!tpu.dma_semaphore, #tpu.memory_space<semaphore_mem>>) attributes {dimension_semantics = [#tpu.dimension_semantics<core_parallel>, #tpu.dimension_semantics<subcore_parallel>], iteration_bounds = array<i64: 2, 16>, scalar_prefetch = 0 : i64, scratch_operands = 10 : i64, tpu.core_type = #tpu.core_type<sc_vector_subcore>, window_params = [{transform_indices = #map}, {transform_indices = #map1}, {transform_indices = #map1}, {transform_indices = #map1}, {transform_indices = #map1}, {transform_indices = #map1}, {transform_indices = #map}, {transform_indices = #map1}, {transform_indices = #map2}, {transform_indices = #map}]} {
    %mul3A = arith.constant 16 : i32
    %mul3A_0 = arith.muli %arg0, %mul3A : i32
    %add3A = arith.addi %mul3A_0, %arg1 : i32
    "tpu.region"() ({
      %run_scoped3A = tpu.sem_alloc : memref<!tpu.dma_semaphore, #tpu.memory_space<semaphore_mem>>
      tpu.enqueue_dma source(%arg5 : memref<10000xf32, #tpu.memory_space<hbm>>) target(%arg12 : memref<10000xf32, #tpu.memory_space<vmem>>) target_semaphore(%run_scoped3A : memref<!tpu.dma_semaphore, #tpu.memory_space<semaphore_mem>>)
      tpu.wait_dma2 semaphore(%run_scoped3A : memref<!tpu.dma_semaphore, #tpu.memory_space<semaphore_mem>>) src(%arg5 : memref<10000xf32, #tpu.memory_space<hbm>>) dst(%arg12 : memref<10000xf32, #tpu.memory_space<vmem>>)
      tpu.yield
    }) : () -> ()
    "tpu.region"() ({
      %run_scoped3A = tpu.sem_alloc : memref<!tpu.dma_semaphore, #tpu.memory_space<semaphore_mem>>
      tpu.enqueue_dma source(%arg6 : memref<10000xf32, #tpu.memory_space<hbm>>) target(%arg13 : memref<10000xf32, #tpu.memory_space<vmem>>) target_semaphore(%run_scoped3A : memref<!tpu.dma_semaphore, #tpu.memory_space<semaphore_mem>>)
      tpu.wait_dma2 semaphore(%run_scoped3A : memref<!tpu.dma_semaphore, #tpu.memory_space<semaphore_mem>>) src(%arg6 : memref<10000xf32, #tpu.memory_space<hbm>>) dst(%arg13 : memref<10000xf32, #tpu.memory_space<vmem>>)
      tpu.yield
    }) : () -> ()
    "tpu.region"() ({
      %run_scoped3A = tpu.sem_alloc : memref<!tpu.dma_semaphore, #tpu.memory_space<semaphore_mem>>
      tpu.enqueue_dma source(%arg7 : memref<16xf32, #tpu.memory_space<hbm>>) target(%arg14 : memref<16xf32, #tpu.memory_space<vmem>>) target_semaphore(%run_scoped3A : memref<!tpu.dma_semaphore, #tpu.memory_space<semaphore_mem>>)
      tpu.wait_dma2 semaphore(%run_scoped3A : memref<!tpu.dma_semaphore, #tpu.memory_space<semaphore_mem>>) src(%arg7 : memref<16xf32, #tpu.memory_space<hbm>>) dst(%arg14 : memref<16xf32, #tpu.memory_space<vmem>>)
      tpu.yield
    }) : () -> ()
    %mul3A_1 = arith.constant 640 : i32
    %mul3A_2 = arith.muli %arg1, %mul3A_1 : i32
    "tpu.region"() ({
      %run_scoped3A = tpu.sem_alloc : memref<!tpu.dma_semaphore, #tpu.memory_space<semaphore_mem>>
      %dma_start3A = arith.constant 0 : i32
      %dma_start3A_12 = tpu.memref_slice %arg19[%mul3A_2, %dma_start3A] : memref<10240x128xf32, #tpu.memory_space<vmem_shared>> -> memref<640x128xf32, #tpu.memory_space<vmem_shared>>
      %dma_start3A_13 = arith.constant 0 : i32
      %dma_start3A_14 = tpu.memref_slice %arg8[%mul3A_2, %dma_start3A_13] : memref<10240x128xf32, #tpu.memory_space<hbm>> -> memref<640x128xf32, #tpu.memory_space<hbm>>
      tpu.enqueue_dma source(%dma_start3A_14 : memref<640x128xf32, #tpu.memory_space<hbm>>) target(%dma_start3A_12 : memref<640x128xf32, #tpu.memory_space<vmem_shared>>) target_semaphore(%run_scoped3A : memref<!tpu.dma_semaphore, #tpu.memory_space<semaphore_mem>>)
      %dma_wait3A = arith.constant 0 : i32
      %dma_wait3A_15 = tpu.memref_slice %arg19[%mul3A_2, %dma_wait3A] : memref<10240x128xf32, #tpu.memory_space<vmem_shared>> -> memref<640x128xf32, #tpu.memory_space<vmem_shared>>
      %dma_wait3A_16 = arith.constant 0 : i32
      %dma_wait3A_17 = tpu.memref_slice %arg8[%mul3A_2, %dma_wait3A_16] : memref<10240x128xf32, #tpu.memory_space<hbm>> -> memref<640x128xf32, #tpu.memory_space<hbm>>
      tpu.wait_dma2 semaphore(%run_scoped3A : memref<!tpu.dma_semaphore, #tpu.memory_space<semaphore_mem>>) src(%dma_wait3A_17 : memref<640x128xf32, #tpu.memory_space<hbm>>) dst(%dma_wait3A_15 : memref<640x128xf32, #tpu.memory_space<vmem_shared>>)
      tpu.yield
    }) : () -> ()
    "tpu.region"() ({
      %run_scoped3A = tpu.sem_alloc : memref<!tpu.dma_semaphore, #tpu.memory_space<semaphore_mem>>
      %dma_start3A = tpu.memref_slice %arg20[%mul3A_2] : memref<10240xf32, #tpu.memory_space<vmem_shared>> -> memref<640xf32, #tpu.memory_space<vmem_shared>>
      %dma_start3A_12 = tpu.memref_slice %arg9[%mul3A_2] : memref<10240xf32, #tpu.memory_space<hbm>> -> memref<640xf32, #tpu.memory_space<hbm>>
      tpu.enqueue_dma source(%dma_start3A_12 : memref<640xf32, #tpu.memory_space<hbm>>) target(%dma_start3A : memref<640xf32, #tpu.memory_space<vmem_shared>>) target_semaphore(%run_scoped3A : memref<!tpu.dma_semaphore, #tpu.memory_space<semaphore_mem>>)
      %dma_wait3A = tpu.memref_slice %arg20[%mul3A_2] : memref<10240xf32, #tpu.memory_space<vmem_shared>> -> memref<640xf32, #tpu.memory_space<vmem_shared>>
      %dma_wait3A_13 = tpu.memref_slice %arg9[%mul3A_2] : memref<10240xf32, #tpu.memory_space<hbm>> -> memref<640xf32, #tpu.memory_space<hbm>>
      tpu.wait_dma2 semaphore(%run_scoped3A : memref<!tpu.dma_semaphore, #tpu.memory_space<semaphore_mem>>) src(%dma_wait3A_13 : memref<640xf32, #tpu.memory_space<hbm>>) dst(%dma_wait3A : memref<640xf32, #tpu.memory_space<vmem_shared>>)
      tpu.yield
    }) : () -> ()
    %barrier3A = arith.constant 0 : index
    tpu.barrier barrier_id(%barrier3A)
    %get3A = arith.constant 0 : index
    %get3A_3 = tpu.vector_load %arg14[%get3A] {strides = array<i32>} : memref<16xf32, #tpu.memory_space<vmem>>, vector<16xf32>,
    %mul3A_4 = arith.constant 10000 : i32
    %mul3A_5 = arith.muli %add3A, %mul3A_4 : i32
    %scan3A = arith.constant 0 : i32
    %scan3A_6 = arith.constant 0 : i32
    %scan3A_7 = arith.constant 125 : i32
    %scan3A_8 = arith.addi %scan3A_6, %scan3A_7 : i32
    %scan3A_9 = arith.constant 1 : i32
    scf.for %scan3A_12 = %scan3A_6 to %scan3A_8 step %scan3A_9  : i32 {
      %mul3A_13 = arith.constant 80 : i32
      %mul3A_14 = arith.muli %scan3A_12, %mul3A_13 : i32
      %add3A_15 = arith.addi %mul3A_5, %mul3A_14 : i32
      "tpu.region"() ({
        %run_scoped3A = tpu.sem_alloc : memref<!tpu.dma_semaphore, #tpu.memory_space<semaphore_mem>>
        %dma_start3A_110 = tpu.memref_slice %arg3[%add3A_15] : memref<320000xi32, #tpu.memory_space<hbm>> -> memref<80xi32, #tpu.memory_space<hbm>>
        %dma_start3A_111 = tpu.memref_slice %arg3[%add3A_15] : memref<320000xi32, #tpu.memory_space<hbm>> -> memref<80xi32, #tpu.memory_space<hbm>>
        tpu.enqueue_dma source(%dma_start3A_111 : memref<80xi32, #tpu.memory_space<hbm>>) target(%arg15 : memref<80xi32, #tpu.memory_space<vmem>>) target_semaphore(%run_scoped3A : memref<!tpu.dma_semaphore, #tpu.memory_space<semaphore_mem>>)
        %dma_wait3A_112 = tpu.memref_slice %arg3[%add3A_15] : memref<320000xi32, #tpu.memory_space<hbm>> -> memref<80xi32, #tpu.memory_space<hbm>>
        %dma_wait3A_113 = tpu.memref_slice %arg3[%add3A_15] : memref<320000xi32, #tpu.memory_space<hbm>> -> memref<80xi32, #tpu.memory_space<hbm>>
        tpu.wait_dma2 semaphore(%run_scoped3A : memref<!tpu.dma_semaphore, #tpu.memory_space<semaphore_mem>>) src(%dma_wait3A_113 : memref<80xi32, #tpu.memory_space<hbm>>) dst(%arg15 : memref<80xi32, #tpu.memory_space<vmem>>)
        tpu.yield
      }) : () -> ()
      "tpu.region"() ({
        %run_scoped3A = tpu.sem_alloc : memref<!tpu.dma_semaphore, #tpu.memory_space<semaphore_mem>>
        %dma_start3A_110 = tpu.memref_slice %arg4[%add3A_15] : memref<320000xi32, #tpu.memory_space<hbm>> -> memref<80xi32, #tpu.memory_space<hbm>>
        %dma_start3A_111 = tpu.memref_slice %arg4[%add3A_15] : memref<320000xi32, #tpu.memory_space<hbm>> -> memref<80xi32, #tpu.memory_space<hbm>>
        tpu.enqueue_dma source(%dma_start3A_111 : memref<80xi32, #tpu.memory_space<hbm>>) target(%arg16 : memref<80xi32, #tpu.memory_space<vmem>>) target_semaphore(%run_scoped3A : memref<!tpu.dma_semaphore, #tpu.memory_space<semaphore_mem>>)
        %dma_wait3A_112 = tpu.memref_slice %arg4[%add3A_15] : memref<320000xi32, #tpu.memory_space<hbm>> -> memref<80xi32, #tpu.memory_space<hbm>>
        %dma_wait3A_113 = tpu.memref_slice %arg4[%add3A_15] : memref<320000xi32, #tpu.memory_space<hbm>> -> memref<80xi32, #tpu.memory_space<hbm>>
        tpu.wait_dma2 semaphore(%run_scoped3A : memref<!tpu.dma_semaphore, #tpu.memory_space<semaphore_mem>>) src(%dma_wait3A_113 : memref<80xi32, #tpu.memory_space<hbm>>) dst(%arg16 : memref<80xi32, #tpu.memory_space<vmem>>)
        tpu.yield
      }) : () -> ()
      %dma_start3A = arith.constant 0 : i32
      %dma_start3A_16 = arith.constant 0 : i32
      %dma_start3A_17 = tpu.memref_slice %arg2[%dma_start3A, %dma_start3A_16] : memref<10000x128xf32, #tpu.memory_space<hbm>> -> memref<10000x128xf32, #tpu.memory_space<hbm>>
      tpu.enqueue_indirect_dma source(%dma_start3A_17 : memref<10000x128xf32, #tpu.memory_space<hbm>>) target(%arg17 : memref<80x128xf32, #tpu.memory_space<vmem>>) offsets(%arg16 : memref<80xi32, #tpu.memory_space<vmem>>) semaphore(%arg21 : memref<!tpu.dma_semaphore, #tpu.memory_space<semaphore_mem>>)
      %dma_wait3A = arith.constant 0 : i32
      %dma_wait3A_18 = arith.constant 0 : i32
      %dma_wait3A_19 = tpu.memref_slice %arg2[%dma_wait3A, %dma_wait3A_18] : memref<10000x128xf32, #tpu.memory_space<hbm>> -> memref<10000x128xf32, #tpu.memory_space<hbm>>
      tpu.wait_indirect_dma semaphore(%arg21 : memref<!tpu.dma_semaphore, #tpu.memory_space<semaphore_mem>>) src(%dma_wait3A_19 : memref<10000x128xf32, #tpu.memory_space<hbm>>) dst(%arg17 : memref<80x128xf32, #tpu.memory_space<vmem>>)
      %get3A_20 = arith.constant 0 : index
      %get3A_21 = tpu.vector_load %arg15[%get3A_20] {strides = array<i32>} : memref<80xi32, #tpu.memory_space<vmem>>, vector<16xi32>,
      %get3A_22 = arith.constant 0 : index
      %get3A_23 = tpu.vector_load %arg16[%get3A_22] {strides = array<i32>} : memref<80xi32, #tpu.memory_space<vmem>>, vector<16xi32>,
      %gather3A = tpu.vector_load_idx %arg12[%get3A_21] : memref<10000xf32, #tpu.memory_space<vmem>>[vector<16xi32>], vector<16xf32>,
      %gather3A_24 = tpu.vector_load_idx %arg13[%get3A_23] : memref<10000xf32, #tpu.memory_space<vmem>>[vector<16xi32>], vector<16xf32>,
      %add3A_25 = arith.addf %gather3A, %gather3A_24 : vector<16xf32>
      %ge3A = arith.constant 0.000000e+00 : f32
      %ge3A_26 = vector.broadcast %ge3A : f32 to vector<16xf32>
      %ge3A_27 = arith.cmpf oge, %add3A_25, %ge3A_26 : vector<16xf32>
      %mul3A_28 = arith.constant 2.000000e-01 : f32
      %mul3A_29 = vector.broadcast %mul3A_28 : f32 to vector<16xf32>
      %mul3A_30 = arith.mulf %mul3A_29, %add3A_25 : vector<16xf32>
      %select_n3A = arith.select %ge3A_27, %add3A_25, %mul3A_30 : vector<16xi1>, vector<16xf32>
      %sub3A = arith.subf %select_n3A, %get3A_3 : vector<16xf32>
      %exp3A = math.exp %sub3A : vector<16xf32>
      %swap3A = arith.constant 0 : index
      %swap3A_31 = tpu.vector_load %arg18[%swap3A] {strides = array<i32>} : memref<80xf32, #tpu.memory_space<vmem>>, vector<16xf32>,
      tpu.vector_store %arg18[%swap3A], %exp3A {strides = array<i32>} : memref<80xf32, #tpu.memory_space<vmem>>, vector<16xf32>,
      %get3A_32 = arith.constant 16 : index
      %get3A_33 = tpu.vector_load %arg15[%get3A_32] {strides = array<i32>} : memref<80xi32, #tpu.memory_space<vmem>>, vector<16xi32>,
      %get3A_34 = arith.constant 16 : index
      %get3A_35 = tpu.vector_load %arg16[%get3A_34] {strides = array<i32>} : memref<80xi32, #tpu.memory_space<vmem>>, vector<16xi32>,
      %gather3A_36 = tpu.vector_load_idx %arg12[%get3A_33] : memref<10000xf32, #tpu.memory_space<vmem>>[vector<16xi32>], vector<16xf32>,
      %gather3A_37 = tpu.vector_load_idx %arg13[%get3A_35] : memref<10000xf32, #tpu.memory_space<vmem>>[vector<16xi32>], vector<16xf32>,
      %add3A_38 = arith.addf %gather3A_36, %gather3A_37 : vector<16xf32>
      %ge3A_39 = arith.constant 0.000000e+00 : f32
      %ge3A_40 = vector.broadcast %ge3A_39 : f32 to vector<16xf32>
      %ge3A_41 = arith.cmpf oge, %add3A_38, %ge3A_40 : vector<16xf32>
      %mul3A_42 = arith.constant 2.000000e-01 : f32
      %mul3A_43 = vector.broadcast %mul3A_42 : f32 to vector<16xf32>
      %mul3A_44 = arith.mulf %mul3A_43, %add3A_38 : vector<16xf32>
      %select_n3A_45 = arith.select %ge3A_41, %add3A_38, %mul3A_44 : vector<16xi1>, vector<16xf32>
      %sub3A_46 = arith.subf %select_n3A_45, %get3A_3 : vector<16xf32>
      %exp3A_47 = math.exp %sub3A_46 : vector<16xf32>
      %swap3A_48 = arith.constant 16 : index
      %swap3A_49 = tpu.vector_load %arg18[%swap3A_48] {strides = array<i32>} : memref<80xf32, #tpu.memory_space<vmem>>, vector<16xf32>,
      tpu.vector_store %arg18[%swap3A_48], %exp3A_47 {strides = array<i32>} : memref<80xf32, #tpu.memory_space<vmem>>, vector<16xf32>,
      %get3A_50 = arith.constant 32 : index
      %get3A_51 = tpu.vector_load %arg15[%get3A_50] {strides = array<i32>} : memref<80xi32, #tpu.memory_space<vmem>>, vector<16xi32>,
      %get3A_52 = arith.constant 32 : index
      %get3A_53 = tpu.vector_load %arg16[%get3A_52] {strides = array<i32>} : memref<80xi32, #tpu.memory_space<vmem>>, vector<16xi32>,
      %gather3A_54 = tpu.vector_load_idx %arg12[%get3A_51] : memref<10000xf32, #tpu.memory_space<vmem>>[vector<16xi32>], vector<16xf32>,
      %gather3A_55 = tpu.vector_load_idx %arg13[%get3A_53] : memref<10000xf32, #tpu.memory_space<vmem>>[vector<16xi32>], vector<16xf32>,
      %add3A_56 = arith.addf %gather3A_54, %gather3A_55 : vector<16xf32>
      %ge3A_57 = arith.constant 0.000000e+00 : f32
      %ge3A_58 = vector.broadcast %ge3A_57 : f32 to vector<16xf32>
      %ge3A_59 = arith.cmpf oge, %add3A_56, %ge3A_58 : vector<16xf32>
      %mul3A_60 = arith.constant 2.000000e-01 : f32
      %mul3A_61 = vector.broadcast %mul3A_60 : f32 to vector<16xf32>
      %mul3A_62 = arith.mulf %mul3A_61, %add3A_56 : vector<16xf32>
      %select_n3A_63 = arith.select %ge3A_59, %add3A_56, %mul3A_62 : vector<16xi1>, vector<16xf32>
      %sub3A_64 = arith.subf %select_n3A_63, %get3A_3 : vector<16xf32>
      %exp3A_65 = math.exp %sub3A_64 : vector<16xf32>
      %swap3A_66 = arith.constant 32 : index
      %swap3A_67 = tpu.vector_load %arg18[%swap3A_66] {strides = array<i32>} : memref<80xf32, #tpu.memory_space<vmem>>, vector<16xf32>,
      tpu.vector_store %arg18[%swap3A_66], %exp3A_65 {strides = array<i32>} : memref<80xf32, #tpu.memory_space<vmem>>, vector<16xf32>,
      %get3A_68 = arith.constant 48 : index
      %get3A_69 = tpu.vector_load %arg15[%get3A_68] {strides = array<i32>} : memref<80xi32, #tpu.memory_space<vmem>>, vector<16xi32>,
      %get3A_70 = arith.constant 48 : index
      %get3A_71 = tpu.vector_load %arg16[%get3A_70] {strides = array<i32>} : memref<80xi32, #tpu.memory_space<vmem>>, vector<16xi32>,
      %gather3A_72 = tpu.vector_load_idx %arg12[%get3A_69] : memref<10000xf32, #tpu.memory_space<vmem>>[vector<16xi32>], vector<16xf32>,
      %gather3A_73 = tpu.vector_load_idx %arg13[%get3A_71] : memref<10000xf32, #tpu.memory_space<vmem>>[vector<16xi32>], vector<16xf32>,
      %add3A_74 = arith.addf %gather3A_72, %gather3A_73 : vector<16xf32>
      %ge3A_75 = arith.constant 0.000000e+00 : f32
      %ge3A_76 = vector.broadcast %ge3A_75 : f32 to vector<16xf32>
      %ge3A_77 = arith.cmpf oge, %add3A_74, %ge3A_76 : vector<16xf32>
      %mul3A_78 = arith.constant 2.000000e-01 : f32
      %mul3A_79 = vector.broadcast %mul3A_78 : f32 to vector<16xf32>
      %mul3A_80 = arith.mulf %mul3A_79, %add3A_74 : vector<16xf32>
      %select_n3A_81 = arith.select %ge3A_77, %add3A_74, %mul3A_80 : vector<16xi1>, vector<16xf32>
      %sub3A_82 = arith.subf %select_n3A_81, %get3A_3 : vector<16xf32>
      %exp3A_83 = math.exp %sub3A_82 : vector<16xf32>
      %swap3A_84 = arith.constant 48 : index
      %swap3A_85 = tpu.vector_load %arg18[%swap3A_84] {strides = array<i32>} : memref<80xf32, #tpu.memory_space<vmem>>, vector<16xf32>,
      tpu.vector_store %arg18[%swap3A_84], %exp3A_83 {strides = array<i32>} : memref<80xf32, #tpu.memory_space<vmem>>, vector<16xf32>,
      %get3A_86 = arith.constant 64 : index
      %get3A_87 = tpu.vector_load %arg15[%get3A_86] {strides = array<i32>} : memref<80xi32, #tpu.memory_space<vmem>>, vector<16xi32>,
      %get3A_88 = arith.constant 64 : index
      %get3A_89 = tpu.vector_load %arg16[%get3A_88] {strides = array<i32>} : memref<80xi32, #tpu.memory_space<vmem>>, vector<16xi32>,
      %gather3A_90 = tpu.vector_load_idx %arg12[%get3A_87] : memref<10000xf32, #tpu.memory_space<vmem>>[vector<16xi32>], vector<16xf32>,
      %gather3A_91 = tpu.vector_load_idx %arg13[%get3A_89] : memref<10000xf32, #tpu.memory_space<vmem>>[vector<16xi32>], vector<16xf32>,
      %add3A_92 = arith.addf %gather3A_90, %gather3A_91 : vector<16xf32>
      %ge3A_93 = arith.constant 0.000000e+00 : f32
      %ge3A_94 = vector.broadcast %ge3A_93 : f32 to vector<16xf32>
      %ge3A_95 = arith.cmpf oge, %add3A_92, %ge3A_94 : vector<16xf32>
      %mul3A_96 = arith.constant 2.000000e-01 : f32
      %mul3A_97 = vector.broadcast %mul3A_96 : f32 to vector<16xf32>
      %mul3A_98 = arith.mulf %mul3A_97, %add3A_92 : vector<16xf32>
      %select_n3A_99 = arith.select %ge3A_95, %add3A_92, %mul3A_98 : vector<16xi1>, vector<16xf32>
      %sub3A_100 = arith.subf %select_n3A_99, %get3A_3 : vector<16xf32>
      %exp3A_101 = math.exp %sub3A_100 : vector<16xf32>
      %swap3A_102 = arith.constant 64 : index
      %swap3A_103 = tpu.vector_load %arg18[%swap3A_102] {strides = array<i32>} : memref<80xf32, #tpu.memory_space<vmem>>, vector<16xf32>,
      tpu.vector_store %arg18[%swap3A_102], %exp3A_101 {strides = array<i32>} : memref<80xf32, #tpu.memory_space<vmem>>, vector<16xf32>,
      %scan3A_104 = arith.constant 0 : i32
      %scan3A_105 = arith.constant 0 : i32
      %scan3A_106 = arith.constant 80 : i32
      %scan3A_107 = arith.addi %scan3A_105, %scan3A_106 : i32
      %scan3A_108 = arith.constant 1 : i32
      scf.for %scan3A_110 = %scan3A_105 to %scan3A_107 step %scan3A_108  : i32 {
        %broadcast_in_dim3A = vector.broadcast %scan3A_110 : i32 to vector<16xi32>
        %gather3A_111 = tpu.vector_load_idx %arg18[%broadcast_in_dim3A] : memref<80xf32, #tpu.memory_space<vmem>>[vector<16xi32>], vector<16xf32>,
        %get3A_112 = arith.index_cast %scan3A_110 : i32 to index
        %get3A_113 = arith.constant 0 : index
        %get3A_114 = tpu.vector_load %arg17[%get3A_112, %get3A_113] {strides = array<i32>} : memref<80x128xf32, #tpu.memory_space<vmem>>, vector<16xf32>,
        %mul3A_115 = arith.mulf %get3A_114, %gather3A_111 : vector<16xf32>
        %swap3A_116 = arith.index_cast %scan3A_110 : i32 to index
        %swap3A_117 = arith.constant 0 : index
        %swap3A_118 = tpu.vector_load %arg17[%swap3A_116, %swap3A_117] {strides = array<i32>} : memref<80x128xf32, #tpu.memory_space<vmem>>, vector<16xf32>,
        tpu.vector_store %arg17[%swap3A_116, %swap3A_117], %mul3A_115 {strides = array<i32>} : memref<80x128xf32, #tpu.memory_space<vmem>>, vector<16xf32>,
        %get3A_119 = arith.index_cast %scan3A_110 : i32 to index
        %get3A_120 = arith.constant 16 : index
        %get3A_121 = tpu.vector_load %arg17[%get3A_119, %get3A_120] {strides = array<i32>} : memref<80x128xf32, #tpu.memory_space<vmem>>, vector<16xf32>,
        %mul3A_122 = arith.mulf %get3A_121, %gather3A_111 : vector<16xf32>
        %swap3A_123 = arith.index_cast %scan3A_110 : i32 to index
        %swap3A_124 = arith.constant 16 : index
        %swap3A_125 = tpu.vector_load %arg17[%swap3A_123, %swap3A_124] {strides = array<i32>} : memref<80x128xf32, #tpu.memory_space<vmem>>, vector<16xf32>,
        tpu.vector_store %arg17[%swap3A_123, %swap3A_124], %mul3A_122 {strides = array<i32>} : memref<80x128xf32, #tpu.memory_space<vmem>>, vector<16xf32>,
        %get3A_126 = arith.index_cast %scan3A_110 : i32 to index
        %get3A_127 = arith.constant 32 : index
        %get3A_128 = tpu.vector_load %arg17[%get3A_126, %get3A_127] {strides = array<i32>} : memref<80x128xf32, #tpu.memory_space<vmem>>, vector<16xf32>,
        %mul3A_129 = arith.mulf %get3A_128, %gather3A_111 : vector<16xf32>
        %swap3A_130 = arith.index_cast %scan3A_110 : i32 to index
        %swap3A_131 = arith.constant 32 : index
        %swap3A_132 = tpu.vector_load %arg17[%swap3A_130, %swap3A_131] {strides = array<i32>} : memref<80x128xf32, #tpu.memory_space<vmem>>, vector<16xf32>,
        tpu.vector_store %arg17[%swap3A_130, %swap3A_131], %mul3A_129 {strides = array<i32>} : memref<80x128xf32, #tpu.memory_space<vmem>>, vector<16xf32>,
        %get3A_133 = arith.index_cast %scan3A_110 : i32 to index
        %get3A_134 = arith.constant 48 : index
        %get3A_135 = tpu.vector_load %arg17[%get3A_133, %get3A_134] {strides = array<i32>} : memref<80x128xf32, #tpu.memory_space<vmem>>, vector<16xf32>,
        %mul3A_136 = arith.mulf %get3A_135, %gather3A_111 : vector<16xf32>
        %swap3A_137 = arith.index_cast %scan3A_110 : i32 to index
        %swap3A_138 = arith.constant 48 : index
        %swap3A_139 = tpu.vector_load %arg17[%swap3A_137, %swap3A_138] {strides = array<i32>} : memref<80x128xf32, #tpu.memory_space<vmem>>, vector<16xf32>,
        tpu.vector_store %arg17[%swap3A_137, %swap3A_138], %mul3A_136 {strides = array<i32>} : memref<80x128xf32, #tpu.memory_space<vmem>>, vector<16xf32>,
        %get3A_140 = arith.index_cast %scan3A_110 : i32 to index
        %get3A_141 = arith.constant 64 : index
        %get3A_142 = tpu.vector_load %arg17[%get3A_140, %get3A_141] {strides = array<i32>} : memref<80x128xf32, #tpu.memory_space<vmem>>, vector<16xf32>,
        %mul3A_143 = arith.mulf %get3A_142, %gather3A_111 : vector<16xf32>
        %swap3A_144 = arith.index_cast %scan3A_110 : i32 to index
        %swap3A_145 = arith.constant 64 : index
        %swap3A_146 = tpu.vector_load %arg17[%swap3A_144, %swap3A_145] {strides = array<i32>} : memref<80x128xf32, #tpu.memory_space<vmem>>, vector<16xf32>,
        tpu.vector_store %arg17[%swap3A_144, %swap3A_145], %mul3A_143 {strides = array<i32>} : memref<80x128xf32, #tpu.memory_space<vmem>>, vector<16xf32>,
        %get3A_147 = arith.index_cast %scan3A_110 : i32 to index
        %get3A_148 = arith.constant 80 : index
        %get3A_149 = tpu.vector_load %arg17[%get3A_147, %get3A_148] {strides = array<i32>} : memref<80x128xf32, #tpu.memory_space<vmem>>, vector<16xf32>,
        %mul3A_150 = arith.mulf %get3A_149, %gather3A_111 : vector<16xf32>
        %swap3A_151 = arith.index_cast %scan3A_110 : i32 to index
        %swap3A_152 = arith.constant 80 : index
        %swap3A_153 = tpu.vector_load %arg17[%swap3A_151, %swap3A_152] {strides = array<i32>} : memref<80x128xf32, #tpu.memory_space<vmem>>, vector<16xf32>,
        tpu.vector_store %arg17[%swap3A_151, %swap3A_152], %mul3A_150 {strides = array<i32>} : memref<80x128xf32, #tpu.memory_space<vmem>>, vector<16xf32>,
        %get3A_154 = arith.index_cast %scan3A_110 : i32 to index
        %get3A_155 = arith.constant 96 : index
        %get3A_156 = tpu.vector_load %arg17[%get3A_154, %get3A_155] {strides = array<i32>} : memref<80x128xf32, #tpu.memory_space<vmem>>, vector<16xf32>,
        %mul3A_157 = arith.mulf %get3A_156, %gather3A_111 : vector<16xf32>
        %swap3A_158 = arith.index_cast %scan3A_110 : i32 to index
        %swap3A_159 = arith.constant 96 : index
        %swap3A_160 = tpu.vector_load %arg17[%swap3A_158, %swap3A_159] {strides = array<i32>} : memref<80x128xf32, #tpu.memory_space<vmem>>, vector<16xf32>,
        tpu.vector_store %arg17[%swap3A_158, %swap3A_159], %mul3A_157 {strides = array<i32>} : memref<80x128xf32, #tpu.memory_space<vmem>>, vector<16xf32>,
        %get3A_161 = arith.index_cast %scan3A_110 : i32 to index
        %get3A_162 = arith.constant 112 : index
        %get3A_163 = tpu.vector_load %arg17[%get3A_161, %get3A_162] {strides = array<i32>} : memref<80x128xf32, #tpu.memory_space<vmem>>, vector<16xf32>,
        %mul3A_164 = arith.mulf %get3A_163, %gather3A_111 : vector<16xf32>
        %swap3A_165 = arith.index_cast %scan3A_110 : i32 to index
        %swap3A_166 = arith.constant 112 : index
        %swap3A_167 = tpu.vector_load %arg17[%swap3A_165, %swap3A_166] {strides = array<i32>} : memref<80x128xf32, #tpu.memory_space<vmem>>, vector<16xf32>,
        tpu.vector_store %arg17[%swap3A_165, %swap3A_166], %mul3A_164 {strides = array<i32>} : memref<80x128xf32, #tpu.memory_space<vmem>>, vector<16xf32>,
      }
      %scan3A_109 = arith.constant 80 : i32
      "tpu.region"() ({
        %run_scoped3A = tpu.sem_alloc : memref<!tpu.dma_semaphore, #tpu.memory_space<semaphore_mem>>
        %dma_start3A_110 = arith.constant 0 : i32
        %dma_start3A_111 = arith.constant 0 : i32
        %dma_start3A_112 = tpu.memref_slice %arg19[%dma_start3A_110, %dma_start3A_111] : memref<10240x128xf32, #tpu.memory_space<vmem_shared>> -> memref<10240x128xf32, #tpu.memory_space<vmem_shared>>
        tpu.enqueue_indirect_dma source(%arg17 : memref<80x128xf32, #tpu.memory_space<vmem>>) target(%dma_start3A_112 : memref<10240x128xf32, #tpu.memory_space<vmem_shared>>) offsets(%arg15 : memref<80xi32, #tpu.memory_space<vmem>>) semaphore(%run_scoped3A : memref<!tpu.dma_semaphore, #tpu.memory_space<semaphore_mem>>) {add = true}
        %dma_wait3A_113 = arith.constant 0 : i32
        %dma_wait3A_114 = arith.constant 0 : i32
        %dma_wait3A_115 = tpu.memref_slice %arg19[%dma_wait3A_113, %dma_wait3A_114] : memref<10240x128xf32, #tpu.memory_space<vmem_shared>> -> memref<10240x128xf32, #tpu.memory_space<vmem_shared>>
        tpu.wait_indirect_dma semaphore(%run_scoped3A : memref<!tpu.dma_semaphore, #tpu.memory_space<semaphore_mem>>) src(%arg17 : memref<80x128xf32, #tpu.memory_space<vmem>>) dst(%dma_wait3A_115 : memref<10240x128xf32, #tpu.memory_space<vmem_shared>>)
        tpu.yield
      }) : () -> ()
      "tpu.region"() ({
        %run_scoped3A = tpu.sem_alloc : memref<!tpu.dma_semaphore, #tpu.memory_space<semaphore_mem>>
        %dma_start3A_110 = arith.constant 0 : i32
        %dma_start3A_111 = tpu.memref_slice %arg20[%dma_start3A_110] : memref<10240xf32, #tpu.memory_space<vmem_shared>> -> memref<10240xf32, #tpu.memory_space<vmem_shared>>
        tpu.enqueue_indirect_dma source(%arg18 : memref<80xf32, #tpu.memory_space<vmem>>) target(%dma_start3A_111 : memref<10240xf32, #tpu.memory_space<vmem_shared>>) offsets(%arg15 : memref<80xi32, #tpu.memory_space<vmem>>) semaphore(%run_scoped3A : memref<!tpu.dma_semaphore, #tpu.memory_space<semaphore_mem>>) {add = true}
        %dma_wait3A_112 = arith.constant 0 : i32
        %dma_wait3A_113 = tpu.memref_slice %arg20[%dma_wait3A_112] : memref<10240xf32, #tpu.memory_space<vmem_shared>> -> memref<10240xf32, #tpu.memory_space<vmem_shared>>
        tpu.wait_indirect_dma semaphore(%run_scoped3A : memref<!tpu.dma_semaphore, #tpu.memory_space<semaphore_mem>>) src(%arg18 : memref<80xf32, #tpu.memory_space<vmem>>) dst(%dma_wait3A_113 : memref<10240xf32, #tpu.memory_space<vmem_shared>>)
        tpu.yield
      }) : () -> ()
    }
    %scan3A_10 = arith.constant 125 : i32
    %barrier3A_11 = arith.constant 0 : index
    tpu.barrier barrier_id(%barrier3A_11)
    "tpu.region"() ({
      %run_scoped3A = tpu.sem_alloc : memref<!tpu.dma_semaphore, #tpu.memory_space<semaphore_mem>>
      %dma_start3A = arith.constant 0 : i32
      %dma_start3A_12 = tpu.memref_slice %arg10[%arg0, %mul3A_2, %dma_start3A] : memref<2x10240x128xf32, #tpu.memory_space<hbm>> -> memref<1x640x128xf32, #tpu.memory_space<hbm>>
      %dma_start3A_13 = tpu.memref_squeeze %dma_start3A_12 : memref<1x640x128xf32, #tpu.memory_space<hbm>> -> memref<640x128xf32, #tpu.memory_space<hbm>>
      %dma_start3A_14 = arith.constant 0 : i32
      %dma_start3A_15 = tpu.memref_slice %arg19[%mul3A_2, %dma_start3A_14] : memref<10240x128xf32, #tpu.memory_space<vmem_shared>> -> memref<640x128xf32, #tpu.memory_space<vmem_shared>>
      tpu.enqueue_dma source(%dma_start3A_15 : memref<640x128xf32, #tpu.memory_space<vmem_shared>>) target(%dma_start3A_13 : memref<640x128xf32, #tpu.memory_space<hbm>>) target_semaphore(%run_scoped3A : memref<!tpu.dma_semaphore, #tpu.memory_space<semaphore_mem>>)
      %dma_wait3A = arith.constant 0 : i32
      %dma_wait3A_16 = tpu.memref_slice %arg10[%arg0, %mul3A_2, %dma_wait3A] : memref<2x10240x128xf32, #tpu.memory_space<hbm>> -> memref<1x640x128xf32, #tpu.memory_space<hbm>>
      %dma_wait3A_17 = tpu.memref_squeeze %dma_wait3A_16 : memref<1x640x128xf32, #tpu.memory_space<hbm>> -> memref<640x128xf32, #tpu.memory_space<hbm>>
      %dma_wait3A_18 = arith.constant 0 : i32
      %dma_wait3A_19 = tpu.memref_slice %arg19[%mul3A_2, %dma_wait3A_18] : memref<10240x128xf32, #tpu.memory_space<vmem_shared>> -> memref<640x128xf32, #tpu.memory_space<vmem_shared>>
      tpu.wait_dma2 semaphore(%run_scoped3A : memref<!tpu.dma_semaphore, #tpu.memory_space<semaphore_mem>>) src(%dma_wait3A_19 : memref<640x128xf32, #tpu.memory_space<vmem_shared>>) dst(%dma_wait3A_17 : memref<640x128xf32, #tpu.memory_space<hbm>>)
      tpu.yield
    }) : () -> ()
    "tpu.region"() ({
      %run_scoped3A = tpu.sem_alloc : memref<!tpu.dma_semaphore, #tpu.memory_space<semaphore_mem>>
      %dma_start3A = tpu.memref_slice %arg11[%arg0, %mul3A_2] : memref<2x10240xf32, #tpu.memory_space<hbm>> -> memref<1x640xf32, #tpu.memory_space<hbm>>
      %dma_start3A_12 = tpu.memref_squeeze %dma_start3A : memref<1x640xf32, #tpu.memory_space<hbm>> -> memref<640xf32, #tpu.memory_space<hbm>>
      %dma_start3A_13 = tpu.memref_slice %arg20[%mul3A_2] : memref<10240xf32, #tpu.memory_space<vmem_shared>> -> memref<640xf32, #tpu.memory_space<vmem_shared>>
      tpu.enqueue_dma source(%dma_start3A_13 : memref<640xf32, #tpu.memory_space<vmem_shared>>) target(%dma_start3A_12 : memref<640xf32, #tpu.memory_space<hbm>>) target_semaphore(%run_scoped3A : memref<!tpu.dma_semaphore, #tpu.memory_space<semaphore_mem>>)
      %dma_wait3A = tpu.memref_slice %arg11[%arg0, %mul3A_2] : memref<2x10240xf32, #tpu.memory_space<hbm>> -> memref<1x640xf32, #tpu.memory_space<hbm>>
      %dma_wait3A_14 = tpu.memref_squeeze %dma_wait3A : memref<1x640xf32, #tpu.memory_space<hbm>> -> memref<640xf32, #tpu.memory_space<hbm>>
      %dma_wait3A_15 = tpu.memref_slice %arg20[%mul3A_2] : memref<10240xf32, #tpu.memory_space<vmem_shared>> -> memref<640xf32, #tpu.memory_space<vmem_shared>>
      tpu.wait_dma2 semaphore(%run_scoped3A : memref<!tpu.dma_semaphore, #tpu.memory_space<semaphore_mem>>) src(%dma_wait3A_15 : memref<640xf32, #tpu.memory_space<vmem_shared>>) dst(%dma_wait3A_14 : memref<640xf32, #tpu.memory_space<hbm>>)
      tpu.yield
    }) : () -> ()
    return
  }
}

module attributes {stable_mosaic.version = 14 : i64} {
  func.func @_tc_prep(%arg0: memref<10000x128xf32, #tpu.memory_space<vmem>>, %arg1: memref<128x128xf32, #tpu.memory_space<vmem>>, %arg2: memref<256x1xf32, #tpu.memory_space<vmem>>, %arg3: memref<10000x128xf32, #tpu.memory_space<vmem>>, %arg4: memref<10000xf32, #tpu.memory_space<vmem>>, %arg5: memref<10000xf32, #tpu.memory_space<vmem>>, %arg6: memref<16xf32, #tpu.memory_space<vmem>>) attributes {dimension_semantics = [], scalar_prefetch = 0 : i64, scratch_operands = 0 : i64, tpu.core_type = #tpu.core_type<tc>} {
    %get3A = arith.constant 0 : index
    %get3A_0 = arith.constant 0 : index
    %get3A_1 = vector.load %arg0[%get3A, %get3A_0] : memref<10000x128xf32, #tpu.memory_space<vmem>>, vector<10000x128xf32>
    %get3A_2 = arith.constant 0 : index
    %get3A_3 = arith.constant 0 : index
    %get3A_4 = vector.load %arg1[%get3A_2, %get3A_3] : memref<128x128xf32, #tpu.memory_space<vmem>>, vector<128x128xf32>
    %dot_general3A = arith.constant dense<0.000000e+00> : vector<10000x128xf32>
    %dot_general3A_5 = tpu.matmul %get3A_1, %get3A_4, %dot_general3A {dimension_numbers = #tpu.dot_dimension_numbers<[1], [0], [0], [1], [0, 0, 1, 1], [], []>, transpose_lhs_hint = false} : vector<10000x128xf32>, vector<128x128xf32>, vector<10000x128xf32> -> vector<10000x128xf32>
    %swap3A = arith.constant 0 : index
    %swap3A_6 = arith.constant 0 : index
    %swap3A_7 = vector.load %arg3[%swap3A, %swap3A_6] : memref<10000x128xf32, #tpu.memory_space<vmem>>, vector<10000x128xf32>
    tpu.vector_store %arg3[%swap3A, %swap3A_6], %dot_general3A_5 {strides = array<i32>} : memref<10000x128xf32, #tpu.memory_space<vmem>>, vector<10000x128xf32>,
    %get3A_8 = arith.constant 0 : index
    %get3A_9 = arith.constant 0 : index
    %get3A_10 = vector.load %arg2[%get3A_8, %get3A_9] : memref<256x1xf32, #tpu.memory_space<vmem>>, vector<256x1xf32>
    %slice3A = vector.extract_strided_slice %get3A_10 {offsets = [0, 0], sizes = [128, 1], strides = [1, 1]} : vector<256x1xf32> to vector<128x1xf32>
    %squeeze3A = vector.shape_cast %slice3A : vector<128x1xf32> to vector<128xf32>
    %broadcast_in_dim3A = vector.shape_cast %squeeze3A : vector<128xf32> to vector<1x128xf32>
    %mul3A = vector.broadcast %broadcast_in_dim3A : vector<1x128xf32> to vector<10000x128xf32>
    %mul3A_11 = arith.mulf %dot_general3A_5, %mul3A : vector<10000x128xf32>
    %reduce_sum3A = arith.constant dense<0.000000e+00> : vector<10000xf32>
    %reduce_sum3A_12 = vector.multi_reduction <add>, %mul3A_11, %reduce_sum3A [1] : vector<10000x128xf32> to vector<10000xf32>
    %slice3A_13 = vector.extract_strided_slice %get3A_10 {offsets = [128, 0], sizes = [128, 1], strides = [1, 1]} : vector<256x1xf32> to vector<128x1xf32>
    %squeeze3A_14 = vector.shape_cast %slice3A_13 : vector<128x1xf32> to vector<128xf32>
    %broadcast_in_dim3A_15 = vector.shape_cast %squeeze3A_14 : vector<128xf32> to vector<1x128xf32>
    %mul3A_16 = vector.broadcast %broadcast_in_dim3A_15 : vector<1x128xf32> to vector<10000x128xf32>
    %mul3A_17 = arith.mulf %dot_general3A_5, %mul3A_16 : vector<10000x128xf32>
    %reduce_sum3A_18 = arith.constant dense<0.000000e+00> : vector<10000xf32>
    %reduce_sum3A_19 = vector.multi_reduction <add>, %mul3A_17, %reduce_sum3A_18 [1] : vector<10000x128xf32> to vector<10000xf32>
    %swap3A_20 = arith.constant 0 : index
    %swap3A_21 = vector.load %arg4[%swap3A_20] : memref<10000xf32, #tpu.memory_space<vmem>>, vector<10000xf32>
    tpu.vector_store %arg4[%swap3A_20], %reduce_sum3A_12 {strides = array<i32>} : memref<10000xf32, #tpu.memory_space<vmem>>, vector<10000xf32>,
    %swap3A_22 = arith.constant 0 : index
    %swap3A_23 = vector.load %arg5[%swap3A_22] : memref<10000xf32, #tpu.memory_space<vmem>>, vector<10000xf32>
    tpu.vector_store %arg5[%swap3A_22], %reduce_sum3A_19 {strides = array<i32>} : memref<10000xf32, #tpu.memory_space<vmem>>, vector<10000xf32>,
    %reduce_max3A = vector.shape_cast %reduce_sum3A_12 : vector<10000xf32> to vector<1x10000xf32>
    %reduce_max3A_24 = arith.constant dense<0xFF800000> : vector<1xf32>
    %reduce_max3A_25 = vector.multi_reduction <maximumf>, %reduce_max3A, %reduce_max3A_24 [1] : vector<1x10000xf32> to vector<1xf32>
    %reduce_max3A_26 = vector.shape_cast %reduce_max3A_25 : vector<1xf32> to vector<1x1xf32>
    %reduce_max3A_27 = vector.extract %reduce_max3A_26[0, 0] : f32 from vector<1x1xf32>
    %reduce_max3A_28 = vector.shape_cast %reduce_sum3A_19 : vector<10000xf32> to vector<1x10000xf32>
    %reduce_max3A_29 = arith.constant dense<0xFF800000> : vector<1xf32>
    %reduce_max3A_30 = vector.multi_reduction <maximumf>, %reduce_max3A_28, %reduce_max3A_29 [1] : vector<1x10000xf32> to vector<1xf32>
    %reduce_max3A_31 = vector.shape_cast %reduce_max3A_30 : vector<1xf32> to vector<1x1xf32>
    %reduce_max3A_32 = vector.extract %reduce_max3A_31[0, 0] : f32 from vector<1x1xf32>
    %add3A = arith.addf %reduce_max3A_27, %reduce_max3A_32 : f32
    %ge3A = arith.constant 0.000000e+00 : f32
    %ge3A_33 = arith.cmpf oge, %add3A, %ge3A : f32
    %mul3A_34 = arith.constant 2.000000e-01 : f32
    %mul3A_35 = arith.mulf %mul3A_34, %add3A : f32
    %select_n3A = arith.select %ge3A_33, %add3A, %mul3A_35 : f32
    %broadcast_in_dim3A_36 = vector.broadcast %select_n3A : f32 to vector<16xf32>
    %swap3A_37 = arith.constant 0 : index
    %swap3A_38 = vector.load %arg6[%swap3A_37] : memref<16xf32, #tpu.memory_space<vmem>>, vector<16xf32>
    tpu.vector_store %arg6[%swap3A_37], %broadcast_in_dim3A_36 {strides = array<i32>} : memref<16xf32, #tpu.memory_space<vmem>>, vector<16xf32>,
    return
  }
}

module attributes {stable_mosaic.version = 14 : i64} {
  func.func @_tc_final(%arg0: memref<2x10240x128xf32, #tpu.memory_space<vmem>>, %arg1: memref<2x10240xf32, #tpu.memory_space<vmem>>, %arg2: memref<10240x128xf32, #tpu.memory_space<vmem>>) attributes {dimension_semantics = [], scalar_prefetch = 0 : i64, scratch_operands = 0 : i64, tpu.core_type = #tpu.core_type<tc>} {
    %get3A = arith.constant 0 : index
    %get3A_0 = arith.constant 0 : index
    %get3A_1 = arith.constant 0 : index
    %get3A_2 = vector.load %arg0[%get3A, %get3A_0, %get3A_1] : memref<2x10240x128xf32, #tpu.memory_space<vmem>>, vector<1x10240x128xf32>
    %get3A_3 = vector.shape_cast %get3A_2 : vector<1x10240x128xf32> to vector<10240x128xf32>
    %get3A_4 = arith.constant 1 : index
    %get3A_5 = arith.constant 0 : index
    %get3A_6 = arith.constant 0 : index
    %get3A_7 = vector.load %arg0[%get3A_4, %get3A_5, %get3A_6] : memref<2x10240x128xf32, #tpu.memory_space<vmem>>, vector<1x10240x128xf32>
    %get3A_8 = vector.shape_cast %get3A_7 : vector<1x10240x128xf32> to vector<10240x128xf32>
    %add3A = arith.addf %get3A_3, %get3A_8 : vector<10240x128xf32>
    %get3A_9 = arith.constant 0 : index
    %get3A_10 = arith.constant 0 : index
    %get3A_11 = vector.load %arg1[%get3A_9, %get3A_10] : memref<2x10240xf32, #tpu.memory_space<vmem>>, vector<1x10240xf32>
    %get3A_12 = vector.shape_cast %get3A_11 : vector<1x10240xf32> to vector<10240xf32>
    %get3A_13 = arith.constant 1 : index
    %get3A_14 = arith.constant 0 : index
    %get3A_15 = vector.load %arg1[%get3A_13, %get3A_14] : memref<2x10240xf32, #tpu.memory_space<vmem>>, vector<1x10240xf32>
    %get3A_16 = vector.shape_cast %get3A_15 : vector<1x10240xf32> to vector<10240xf32>
    %add3A_17 = arith.addf %get3A_12, %get3A_16 : vector<10240xf32>
    %jit3A = arith.constant 9.99999993E-9 : f32
    %max3A = vector.broadcast %jit3A : f32 to vector<10240xf32>
    %max3A_18 = arith.maximumf %max3A, %add3A_17 : vector<10240xf32>
    %broadcast_in_dim3A = vector.shape_cast %max3A_18 : vector<10240xf32> to vector<10240x1xf32>
    %div3A = vector.broadcast %broadcast_in_dim3A : vector<10240x1xf32> to vector<10240x128xf32>
    %div3A_19 = arith.divf %add3A, %div3A : vector<10240x128xf32>
    %gt3A = arith.constant 0.000000e+00 : f32
    %gt3A_20 = vector.broadcast %gt3A : f32 to vector<10240x128xf32>
    %gt3A_21 = arith.cmpf ogt, %div3A_19, %gt3A_20 : vector<10240x128xf32>
    %min3A = arith.constant 0.000000e+00 : f32
    %min3A_22 = vector.broadcast %min3A : f32 to vector<10240x128xf32>
    %min3A_23 = arith.minimumf %div3A_19, %min3A_22 : vector<10240x128xf32>
    %exp3A = math.exp %min3A_23 : vector<10240x128xf32>
    %sub3A = arith.constant 1.000000e+00 : f32
    %sub3A_24 = vector.broadcast %sub3A : f32 to vector<10240x128xf32>
    %sub3A_25 = arith.subf %exp3A, %sub3A_24 : vector<10240x128xf32>
    %select_n3A = arith.select %gt3A_21, %div3A_19, %sub3A_25 : vector<10240x128xi1>, vector<10240x128xf32>
    %swap3A = arith.constant 0 : index
    %swap3A_26 = arith.constant 0 : index
    %swap3A_27 = vector.load %arg2[%swap3A, %swap3A_26] : memref<10240x128xf32, #tpu.memory_space<vmem>>, vector<10240x128xf32>
    tpu.vector_store %arg2[%swap3A, %swap3A_26], %select_n3A {strides = array<i32>} : memref<10240x128xf32, #tpu.memory_space<vmem>>, vector<10240x128xf32>,
    return
  }
}

</mosaic_0001>

<sc_bundles>
// kernel: kernel.5.cloned.1.call-start
scs
__scs_entry_jumppad:
0x0: {  	(pc) =	sbr.rel $0x88, $3  }
0x1: {  	(tag) =	ssettag $0x0;
	lr =	simm.s32 $0x1  }
0x2: {  	[smem:$0x3F9D] =	sst lr;
	_ =	strace $0xD0000000  }
0x3: {  	_ = 	snop  }
0x4: {  	_ = 	snop  }
0x5: {  	_ = 	snop  }
0x6: {  	_ = 	snop  }
0x7: {  	_ = 	snop  }
__scs_overlays_trampoline_lowered:
0x8: {  	[smem:$0x3FAC] =	sst s0  }
0x9: {  	[smem:$0x3FAD] =	sst s1  }
0xa: {  	[smem:$0x3FAE] =	sst s2  }
0xb: {  	[smem:$0x3FAF] =	sst s3  }
0xc: {  	[smem:$0x3FB0] =	sst s4  }
0xd: {  	[smem:$0x3FB1] =	sst s5  }
0xe: {  	[smem:$0x3FB2] =	sst s6  }
0xf: {  	[smem:$0x3FB3] =	sst s7  }
0x10: {  	[smem:$0x3FB4] =	sst s8  }
0x11: {  	[smem:$0x3FB5] =	sst s9;
	s0 =	simm.s32 @!p0 $0x0  }
0x12: {  	s1 =	sld [smem:$0x3F9B];
	s0 =	simm.s32 @p0 $0x1  }
0x13: {  	[smem:$0x3FB6] =	sst s0;
	s0 =	simm.s32 @!p1 $0x0  }
0x14: {  	s2 =	sld [smem:$0x3F9A];
	s0 =	simm.s32 @p1 $0x1  }
0x15: {  	[smem:$0x3FB7] =	sst s0;
	s0 =	simm.s32 @!p2 $0x0  }
0x16: {  	s3 =	sld [smem:$0x3FDB];
	s0 =	simm.s32 @p2 $0x1  }
0x17: {  	s4 =	simm.s32 $0x1BF5;
	[smem:$0x3FB9] =	sst s0  }
0x18: {  	s0 =	sld [smem:$0x3F9C];
	_ =	swait.ge [sflag:s4], $0x0  }
0x19: {  	s7 =	sld [smem:$0x3F9D]  }
0x1a: {  	s8 =	sadd.s32 $0xFFFFE003, lr  }
0x1b: {  	s9 =	sadd.s32 $0xFFFFFEF7, lr;
	s5 =	simm.s32 $0xFFFFFFFF;
	p2 =	slt.u32 s8, $0xFFFFF086  }
0x1c: {  	p1 =	slt.u32 s9, $0xF7A;
	s5 =	simm.s32 @!p2 $0x0  }
0x1d: {  	s5 =	simm.s32 @p1 $0x1;
	p0 =	seq.s32 s7, s2  }
0x1e: {  	s7 =	smul.u32 @!p0 $0xF7A, s2;
	p2 =	seq.s32 @!p0 s5, $0x0  }
0x1f: {  	s9 =	smul.u32 $0xF7A, s1;
	s8 =	simm.s32 @!p0 $0x1BF5;
	p2 =	por !p2, p0  }
0x20: {  	[sflag:s8] =	ssyncset.s32 @!p0 $0xFFFFF086;
	s6 =	sadd.s32 @!p0 s3, s7;
	s7 =	simm.s32 @!p0 $0x108  }
0x21: {  	s3 =	sadd.s32 s3, s9;
	s6 =	sadd.s32 @!p0 $0x88, s6;
	s7 =	simm.s32 @p2 $0x1082  }
0x22: {  	[simem:s7], [sflag:s8] =	dma.local @!p0 [hbm:s6], $0xF7A  }
0x23: {  	s9 =	sor.u32 $0xD0000000, s2;
	s6 =	simm.s32 $0x108;
	_ =	swait.ge @!p0 [sflag:s8], $0x0  }
0x24: {  	s3 =	sadd.s32 $0x88, s3;
	s6 =	simm.s32 @!p1 $0x1082;
	[sflag:s4] =	ssyncset.s32 $0xFFFFF086  }
0x25: {  	[simem:s6], [sflag:s4] =	dma.local [hbm:s3], $0xF7A  }
0x26: {  	[smem:$0x3F9D] =	sst s1;
	(tag) =	ssettag s2;
	_ =	strace s9  }
0x27: {  	s1 =	sld [smem:$0x3FAD]  }
0x28: {  	s2 =	sld [smem:$0x3FAE]  }
0x29: {  	s4 =	sld [smem:$0x3FB0]  }
0x2a: {  	p0 =	seq.s32 s5, $0x0;
	s5 =	sld [smem:$0x3FB1]  }
0x2b: {  	s6 =	sld [smem:$0x3FB2]  }
0x2c: {  	s7 =	sld [smem:$0x3FB3]  }
0x2d: {  	s3 =	simm.s32 $0x108;
	s8 =	sld [smem:$0x3FB4]  }
0x2e: {  	s3 =	simm.s32 @!p0 $0x1082;
	s9 =	sld [smem:$0x3FB5]  }
0x2f: {  	lr =	sadd.s32 s0, s3;
	s0 =	sld [smem:$0x3FAC]  }
0x30: {  	s3 =	sld [smem:$0x3FAF]  }
0x31: {  	[smem:$0x3FB8] =	sst s10  }
0x32: {  	s10 =	sld [smem:$0x3FB6];
	_ =	sdelay $0x3  }
0x33: {  	p0 =	seq.s32 s10, $0x1;
	s10 =	sld [smem:$0x3FB8];
	_ =	sdelay $0x3  }
0x34: {  	[smem:$0x3FB8] =	sst s10  }
0x35: {  	s10 =	sld [smem:$0x3FB7];
	_ =	sdelay $0x3  }
0x36: {  	p1 =	seq.s32 s10, $0x1;
	s10 =	sld [smem:$0x3FB8];
	_ =	sdelay $0x3  }
0x37: {  	[smem:$0x3FB8] =	sst s10  }
0x38: {  	s10 =	sld [smem:$0x3FB9]  }
0x39: {  	_ = 	snop;
	(pc) =	sbr.ind lr, $3  }
0x3a: {  	_ = 	snop  }
0x3b: {  	_ = 	snop  }
0x3c: {  	p2 =	seq.s32 s10, $0x1;
	s10 =	sld [smem:$0x3FB8]  }
0x3d: {  	_ =	shalt  }
0x3e: {  	_ =	shalt  }
0x3f: {  	_ =	shalt  }
0x40: {  	_ =	shalt  }
0x41: {  	_ =	shalt  }
0x42: {  	_ =	shalt  }
0x43: {  	_ =	shalt  }
0x44: {  	_ =	shalt  }
0x45: {  	_ =	shalt  }
0x46: {  	_ =	shalt  }
0x47: {  	_ =	shalt  }
0x48: {  	_ =	shalt  }
0x49: {  	_ =	shalt  }
0x4a: {  	_ =	shalt  }
0x4b: {  	_ =	shalt  }
0x4c: {  	_ =	shalt  }
0x4d: {  	_ =	shalt  }
0x4e: {  	_ =	shalt  }
0x4f: {  	_ =	shalt  }
0x50: {  	_ =	shalt  }
0x51: {  	_ =	shalt  }
0x52: {  	_ =	shalt  }
0x53: {  	_ =	shalt  }
0x54: {  	_ =	shalt  }
0x55: {  	_ =	shalt  }
0x56: {  	_ =	shalt  }
0x57: {  	_ =	shalt  }
0x58: {  	_ =	shalt  }
0x59: {  	_ =	shalt  }
0x5a: {  	_ =	shalt  }
0x5b: {  	_ =	shalt  }
0x5c: {  	_ =	shalt  }
0x5d: {  	_ =	shalt  }
0x5e: {  	_ =	shalt  }
0x5f: {  	_ =	shalt  }
0x60: {  	_ =	shalt  }
0x61: {  	_ =	shalt  }
0x62: {  	_ =	shalt  }
0x63: {  	_ =	shalt  }
0x64: {  	_ =	shalt  }
0x65: {  	_ =	shalt  }
0x66: {  	_ =	shalt  }
0x67: {  	_ =	shalt  }
0x68: {  	_ =	shalt  }
0x69: {  	_ =	shalt  }
0x6a: {  	_ =	shalt  }
0x6b: {  	_ =	shalt  }
0x6c: {  	_ =	shalt  }
0x6d: {  	_ =	shalt  }
0x6e: {  	_ =	shalt  }
0x6f: {  	_ =	shalt  }
0x70: {  	_ =	shalt  }
0x71: {  	_ =	shalt  }
0x72: {  	_ =	shalt  }
0x73: {  	_ =	shalt  }
0x74: {  	_ =	shalt  }
0x75: {  	_ =	shalt  }
0x76: {  	_ =	shalt  }
0x77: {  	_ =	shalt  }
0x78: {  	_ =	shalt  }
0x79: {  	_ =	shalt  }
0x7a: {  	_ =	shalt  }
0x7b: {  	_ =	shalt  }
0x7c: {  	_ =	shalt  }
0x7d: {  	_ =	shalt  }
0x7e: {  	_ =	shalt  }
0x7f: {  	_ =	shalt  }
0x80: {  	_ =	shalt  }
0x81: {  	_ =	shalt  }
0x82: {  	_ =	shalt  }
0x83: {  	_ =	shalt  }
0x84: {  	_ =	shalt  }
0x85: {  	_ =	shalt  }
0x86: {  	_ =	shalt  }
0x87: {  	_ =	shalt  }
.Lfunc_end0:
.L_simem_size_0:
called_computation_lowered:
.L_overlay_start_0:
0x88: {  	s2 =	sld [smem:$0x3FD9]  }
0x89: {  	s3 =	sld [smem:$0x3FFE];
	_ =	sdelay $0x1  }
0x8a: {  	s1 =	srdreg.scid  }
0x8b: {  	s0 =	sand.u32 $0x1, s1  }
0x8c: {  	s17 =	sshll.u32 s0, $0xA;
	s2 =	sadd.s32 s3, s2  }
0x8d: {  	s2 =	sadd.s32 s2, s17  }
0x8e: {  	[smem:$0x3FC4] =	sst s2  }
0x8f: {  	_ = 	snop  }
0x90: {  	s2 =	sld [smem:$0x3FD0];
	(tm) =	ssettm $0x1  }
0x91: {  	s18 =	sld [smem:$0x3FFB];
	_ =	sdelay $0x3  }
0x92: {  	_ =	strace s18  }
0x93: {  	s3 =	sld [smem:$0x3FFC];
	_ =	sdelay $0x3  }
0x94: {  	_ =	strace s3  }
0x95: {  	s3 =	sld [smem:$0x3FFD];
	_ =	sdelay $0x3  }
0x96: {  	_ =	strace s3  }
0x97: {  	_ =	strace $0x8FFFFFFF  }
0x98: {  	s19 =	sld [smem:$0x3FDB];
	_ =	sdelay $0x1  }
0x99: {  	s4 =	simm.s32 $_scs_section_size  }
0x9a: {  	s5 =	simm.s32 $_size__tile_overlayer_lowered;
	s6 =	simm.s32 $_tile_overlayer_lowered  }
0x9b: {  	s22 =	simm.s32 $0x1BFF;
	s21 =	sshll.u32 s6, $0x1;
	s3 =	sadd.s32 s4, s19  }
0x9c: {  	s7 =	simm.s32 $0x0;
	s20 =	sshll.u32 s5, $0x1;
	s5 =	sadd.s32 s21, s3  }
0x9d: {  	[timem:s7], [sflag:s22] =	dma.local [hbm:s5], s20  }
0x9e: {  	_ =	swait.ge [sflag:s22], s20  }
0x9f: {  	s4 =	ssub.s32 $0x0, s20;
	[sflag:s22] =	ssyncset.done $0x0  }
0xa0: {  	[sflag:s22] =	ssyncadd.s32 s4;
	_ =	sdelay $0x1  }
0xa1: {  	s23 =	simm.s32 $0x1B8B  }
0xa2: {  	_ =	swait.ge [sflag:s23], $0x1  }
0xa3: {  	[sflag:s23] =	ssyncset.done $0x0  }
0xa4: {  	s25 =	simm.s32 $0x1B8E;
	s24 =	sld [smem:$0x3FFE];
	[sflag:s23] =	ssyncadd.s32 $0xFFFFFFFF  }
0xa5: {  	s26 =	simm.s32 $execute0_lowered;
	[smem:$0x3FD2] =	sst s25  }
0xa6: {  	s5 =	sshll.u32 s26, $0x1;
	_ =	strace $0x80000046;
	[dreg:$0x1] =	wrdreg $0xFFFFFFFF  }
0xa7: {  	s28 =	simm.s32 $_size_execute0_lowered;
	s3 =	sadd.s32 s3, s5;
	[dreg:$0x0] =	wrdreg $0x0  }
0xa8: {  	s5 =	sshll.u32 s28, $0x1;
	[dreg:$0x2] =	wrdreg s3  }
0xa9: {  	[dreg:$0x3] =	wrdreg s5  }
0xaa: {  	[dreg:$0x4] =	wrdreg $0xC0  }
0xab: {  	_ =	task [dreg:s7], $0x5FFFF  }
0xac: {  	[dreg:$0x1] =	wrdreg $0xFFFFFFFF  }
0xad: {  	[dreg:$0x0] =	wrdreg $0x60  }
0xae: {  	[dreg:$0x2] =	wrdreg s2  }
0xaf: {  	[dreg:$0x3] =	wrdreg s24  }
0xb0: {  	[dreg:$0x4] =	wrdreg $0x79000  }
0xb1: {  	[dreg:$0x5] =	wrdreg $0x1B9000  }
0xb2: {  	[dreg:$0x6] =	wrdreg $0x9  }
0xb3: {  	_ =	task.clear_ibuf [dreg:s7], $0x7FFFF;
	_ =	strace $0x90000046  }
0xb4: {  	s29 =	simm.s32 $0x9;
	_ =	strace $0x80000048  }
0xb5: {  	_ =	swait.ge [sflag:s29], $0x1  }
0xb6: {  	[sflag:s29] =	ssyncadd.s32 $0xFFFFFFFF  }
0xb7: {  	_ =	strace $0x90000048  }
0xb8: {  	_ =	sfence  }
0xb9: {  	s30 =	sld [smem:$0x0];
	_ =	sdelay $0x2  }
0xba: {  	s31 =	sshll.u32 s1, $0xD;
	s1 =	sshrl.u32 s1, $0x2  }
0xbb: {  	s3 =	sand.u32 $0x4000, s31;
	s1 =	sadd.s32 s1, s30  }
0xbc: {  	s0 =	sor.u32 s3, s0;
	s1 =	sshll.u32 s1, $0x11  }
0xbd: {  	s0 =	sor.u32 s1, s0  }
0xbe: {  	s0 =	sadd.s32 $0x8F2B, s0  }
0xbf: {  	[sflag:s0] =	ssyncadd.remote.s32 $0x1  }
0xc0: {  	_ =	sfence.sel $0xFFFF  }
0xc1: {  	[dreg:$0x0] =	wrdreg $0xFFFFFFFF;
	(pc) =	sbr.abs _section_cstart, $3  }
0xc2: {  	[dreg:$0x1] =	wrdreg $0xFFFFFFFF  }
0xc3: {  	_ =	task.clear_ibuf [dreg:s7], $0x2FFFF;
	_ =	strace $0x9FFFFFFF  }
0xc4: {  	(tm) =	ssettm $0x7FFFFFFF  }
0xc5: {  	_ =	shalt  }
tec
execute0_lowered:
.L_overlay_start_1:
0x0: {  	(tag) =	ssettag $0x1  }
0x1: {  	s1 =	rddreg [dreg:$0x0]  }
0x2: {  	s0 =	rddreg [dreg:$0x1]  }
0x3: {  	s2 =	rddreg [dreg:$0x2]  }
0x4: {  	s3 =	rddreg [dreg:$0x3];
	s5 =	simm.s32 $0x0  }
0x5: {  	s8 =	stileid.u32;
	s4 =	srdreg.scid;
	s28 =	simm.s32 $0x1  }
0x6: {  	s29 =	simm.s32 $0x7880;
	[smem:$0x7FF] =	sst s5;
	s11 =	smul.u32 $0x14000, s8  }
0x7: {  	s6 =	sadd.s32 $0xB000, s0;
	s7 =	sadd.s32 $0x1200, s0;
	s14 =	smul.u32 $0x280, s8  }
0x8: {  	s4 =	sand.u32 $0x1, s4;
	s9 =	sadd.s32 $0x14E00, s0;
	s22 =	smul.u32 $0x500, s8  }
0x9: {  	s10 =	sadd.s32 $0x15A00, s0;
	s25 =	smul.u32 $0x50000, s8;
	s31 =	sshll.u32 s8, $0x6  }
0xa: {  	_ =	strace $0x80000047;
	[dreg:$0x5] =	wrdreg s9;
	s9 =	sadd.s32 $0x15400, s0  }
0xb: {  	s12 =	smul.u32 $0x140000, s4;
	s16 =	sshll.u32 s4, $0x7;
	s24 =	ssub.s32 $0x2, s4  }
0xc: {  	s4 =	sshll.u32 s4, $0x4;
	s20 =	sor.u32 $0x1C02, s31;
	s13 =	sshrl.u32 s11, $0x3  }
0xd: {  	s15 =	sshrl.u32 s14, $0x3;
	s23 =	sor.u32 s16, s22;
	s26 =	sshrl.u32 s24, $0x1  }
0xe: {  	s4 =	sor.u32 s8, s4;
	s30 =	sshrl.u32 s25, $0x2;
	s22 =	sadd.s32 s14, s3  }
0xf: {  	s25 =	simm.s32 $0x50;
	s13 =	sadd.s32 s13, s0;
	s11 =	sadd.s32 s11, s12  }
0x10: {  	s15 =	sadd.s32 s15, s0;
	s18 =	ssub.s32 s24, s26;
	s19 =	sadd.s32 s30, s2  }
0x11: {  	s22 =	sshrl.u32 s22, $0x3;
	s24 =	simm.s32 $0x5000;
	s26 =	simm.s32 $0x5080  }
0x12: {  	s11 =	sshrl.u32 s11, $0x3;
	s12 =	sadd.s32 $0x15C00, s15;
	s16 =	smax.u32 s18, $0x1  }
0x13: {  	s18 =	simm.s32 $0x2780;
	s17 =	sadd.s32 s11, s0;
	s11 =	sshrl.u32 s23, $0x3  }
0x14: {  	s21 =	sshrl.u32 s19, $0x3;
	s23 =	simm.s32 $0x4F80;
	s0 =	sadd.s32 s11, s0  }
0x15: {  	s11 =	sadd.s32 $0x16200, s13;
	s13 =	smul.u32 $0x2710, s4;
	s14 =	sadd.s32 $0x3E200, s17  }
0x16: {  	s17 =	simm.s32 $0x2;
	s15 =	sadd.s32 $0x8E200, s0;
	s0 =	simm.s32 $0x0  }
.LBB2_1:
0x17: {  	s4 =	rddreg [dreg:$0x5]  }
0x18: {  	[tilespmem:s5], [sflag:$0x2] =	stream.linear.gather [hbm4b:s4+s5], $0x2780, $0x38;
	[tilespmem:$0x1BB80] =	vst v63  }
0x19: {  	_ =	swait.ge [sflag:s17], $0x2780  }
0x1a: {  	[sflag:s17] =	ssyncset.done $0x0  }
0x1b: {  	[sflag:s17] =	ssyncadd.s32 $0xFFFFD880  }
0x1c: {  	[tilespmem:s18], [sflag:$0x2] =	stream.linear.gather [hbm4b:s9+s5], $0x2780, $0x38;
	[tilespmem:$0x1BB80] =	vst v63  }
0x1d: {  	_ =	swait.ge [sflag:s17], $0x2780  }
0x1e: {  	[sflag:s17] =	ssyncset.done $0x0  }
0x1f: {  	s31 =	simm.s32 $0x4F00;
	[sflag:s17] =	ssyncadd.s32 $0xFFFFD880  }
0x20: {  	[tilespmem:s31], [sflag:$0x2] =	stream.linear.gather [hbm4b:s10+s5], $0x80, $0x38;
	[tilespmem:$0x1BB80] =	vst v63  }
0x21: {  	_ =	swait.ge [sflag:s17], $0x80  }
0x22: {  	[sflag:s17] =	ssyncset.done $0x0  }
0x23: {  	[sflag:s17] =	ssyncadd.s32 $0xFFFFFF80  }
0x24: {  	[spmem:s21], [sflag:s20] =	dma.local [hbm:s11], $0x2800  }
0x25: {  	_ =	swait.ge [sflag:s17], $0x2800  }
0x26: {  	[sflag:s17] =	ssyncset.done $0x0  }
0x27: {  	[sflag:s17] =	ssyncadd.s32 $0xFFFFD800  }
0x28: {  	[spmem:s22], [sflag:s20] =	dma.local [hbm:s12], $0x50  }
0x29: {  	_ =	swait.ge [sflag:s17], $0x50  }
0x2a: {  	[sflag:s17] =	ssyncset.done $0x0  }
0x2b: {  	[sflag:s17] =	ssyncadd.s32 $0xFFFFFFB0  }
0x2c: {  	[bflag:$0x0] =	sbarrier.arrive $0xFFFF  }
0x2d: {  	s4 =	simm.s32 $0x0;
	v0 =	vld [tilespmem:$0x4F00]  }
.LBB2_2:
0x2e: {  	s19 =	smul.u32 $0x50, s4;
	_ =	sdelay $0x1  }
0x2f: {  	s19 =	sadd.s32 s13, s19  }
0x30: {  	s30 =	sshrl.u32 s19, $0x3  }
0x31: {  	s8 =	simm.s32 $0x0;
	s31 =	sadd.s32 s6, s30  }
0x32: {  	[tilespmem:s23], [sflag:$0x2] =	stream.linear.gather [hbm4b:s31+s8], $0x50, $0x38;
	[tilespmem:$0x1BB80] =	vst v63  }
0x33: {  	_ =	swait.ge [sflag:s17], $0x50  }
0x34: {  	[sflag:s17] =	ssyncset.done $0x0  }
0x35: {  	s30 =	sadd.s32 s7, s30;
	[sflag:s17] =	ssyncadd.s32 $0xFFFFFFB0  }
0x36: {  	[tilespmem:s24], [sflag:$0x2] =	stream.linear.gather [hbm4b:s30+s8], $0x50, $0x38;
	[tilespmem:$0x1BB80] =	vst v63  }
0x37: {  	_ =	swait.ge [sflag:s17], $0x50  }
0x38: {  	[sflag:s17] =	ssyncset.done $0x0  }
0x39: {  	[sflag:s17] =	ssyncadd.s32 $0xFFFFFFB0  }
0x3a: {  	[tilespmem:s26], [sflag:$0x1] =	stream.indirect.gather [hbm4b:s1+s25], $0x80, s24, s25, $0xb8;
	[tilespmem:$0x1BB80] =	vst v63  }
0x3b: {  	_ =	swait.ge [sflag:s28], $0x2800  }
0x3c: {  	[sflag:s28] =	ssyncset.done $0x0  }
0x3d: {  	[sflag:s28] =	ssyncadd.s32 $0xFFFFD800  }
0x3e: {  	v1 =	vld [tilespmem:$0x4F80]  }
0x3f: {  	v2 =	vld [tilespmem:$0x5000];
	_ =	sdelay $0x6  }
0x40: {  	v1 =	vld.idx.msk [tilespmem:v1+s8+$0x0], $0xffff  }
0x41: {  	v2 =	vld.idx.msk [tilespmem:v2+s18+$0x0], $0xffff;
	_ =	sdelay $0x4  }
0x42: {  	v1 =	vadd.f32 v2, v1;
	_ =	sdelay $0x1  }
0x43: {  	v2 =	vmul.f32 $2.000000030e-01, v1  }
0x44: {  	vm0 =	vge.f32 v1, $0.0e+00  }
0x45: {  	v1 =	vsel vm0, v1, v2  }
0x46: {  	v1 =	vsub.f32 v1, v0;
	_ =	sdelay $0x1  }
0x47: {  	v1 =	vmul.f32 $1.442695020e+00, v1;
	_ =	sdelay $0x1  }
0x48: {  	(erf) = vpow2.f32 v1;
	_ =	sdelay $0x2  }
0x49: {  	v1 =	vld [tilespmem:$0x4F90]  }
0x4a: {  	v2 =	vld [tilespmem:$0x5010];
	_ =	sdelay $0x4  }
0x4b: {  	v3 =	vpop (erf)  }
0x4c: {  	[tilespmem:$0x7880] =	vst v3  }
0x4d: {  	v1 =	vld.idx.msk [tilespmem:v1+s8+$0x0], $0xffff  }
0x4e: {  	v2 =	vld.idx.msk [tilespmem:v2+s18+$0x0], $0xffff;
	_ =	sdelay $0x4  }
0x4f: {  	v1 =	vadd.f32 v2, v1;
	_ =	sdelay $0x1  }
0x50: {  	v2 =	vmul.f32 $2.000000030e-01, v1  }
0x51: {  	vm12 =	vge.f32 v1, $0.0e+00  }
0x52: {  	v1 =	vsel vm12, v1, v2  }
0x53: {  	v1 =	vsub.f32 v1, v0;
	_ =	sdelay $0x1  }
0x54: {  	v1 =	vmul.f32 $1.442695020e+00, v1;
	_ =	sdelay $0x1  }
0x55: {  	(erf) = vpow2.f32 v1;
	_ =	sdelay $0x2  }
0x56: {  	v1 =	vld [tilespmem:$0x4FA0]  }
0x57: {  	v2 =	vld [tilespmem:$0x5020];
	_ =	sdelay $0x4  }
0x58: {  	v3 =	vpop (erf)  }
0x59: {  	[tilespmem:$0x7890] =	vst v3  }
0x5a: {  	v1 =	vld.idx.msk [tilespmem:v1+s8+$0x0], $0xffff  }
0x5b: {  	v2 =	vld.idx.msk [tilespmem:v2+s18+$0x0], $0xffff;
	_ =	sdelay $0x4  }
0x5c: {  	v1 =	vadd.f32 v2, v1;
	_ =	sdelay $0x1  }
0x5d: {  	v2 =	vmul.f32 $2.000000030e-01, v1  }
0x5e: {  	vm13 =	vge.f32 v1, $0.0e+00  }
0x5f: {  	v1 =	vsel vm13, v1, v2  }
0x60: {  	v1 =	vsub.f32 v1, v0;
	_ =	sdelay $0x1  }
0x61: {  	v1 =	vmul.f32 $1.442695020e+00, v1;
	_ =	sdelay $0x1  }
0x62: {  	(erf) = vpow2.f32 v1;
	_ =	sdelay $0x2  }
0x63: {  	v1 =	vld [tilespmem:$0x4FB0]  }
0x64: {  	v2 =	vld [tilespmem:$0x5030];
	_ =	sdelay $0x4  }
0x65: {  	v3 =	vpop (erf)  }
0x66: {  	[tilespmem:$0x78A0] =	vst v3  }
0x67: {  	v1 =	vld.idx.msk [tilespmem:v1+s8+$0x0], $0xffff  }
0x68: {  	v2 =	vld.idx.msk [tilespmem:v2+s18+$0x0], $0xffff;
	_ =	sdelay $0x4  }
0x69: {  	v1 =	vadd.f32 v2, v1;
	_ =	sdelay $0x1  }
0x6a: {  	v2 =	vmul.f32 $2.000000030e-01, v1  }
0x6b: {  	vm14 =	vge.f32 v1, $0.0e+00  }
0x6c: {  	v1 =	vsel vm14, v1, v2  }
0x6d: {  	v1 =	vsub.f32 v1, v0;
	_ =	sdelay $0x1  }
0x6e: {  	v1 =	vmul.f32 $1.442695020e+00, v1;
	_ =	sdelay $0x1  }
0x6f: {  	(erf) = vpow2.f32 v1;
	_ =	sdelay $0x2  }
0x70: {  	v1 =	vld [tilespmem:$0x4FC0]  }
0x71: {  	v2 =	vld [tilespmem:$0x5040];
	_ =	sdelay $0x4  }
0x72: {  	v3 =	vpop (erf)  }
0x73: {  	[tilespmem:$0x78B0] =	vst v3  }
0x74: {  	v1 =	vld.idx.msk [tilespmem:v1+s8+$0x0], $0xffff  }
0x75: {  	v2 =	vld.idx.msk [tilespmem:v2+s18+$0x0], $0xffff;
	_ =	sdelay $0x4  }
0x76: {  	v1 =	vadd.f32 v2, v1;
	_ =	sdelay $0x1  }
0x77: {  	v2 =	vmul.f32 $2.000000030e-01, v1  }
0x78: {  	vm15 =	vge.f32 v1, $0.0e+00  }
0x79: {  	v1 =	vsel vm15, v1, v2  }
0x7a: {  	v1 =	vsub.f32 v1, v0;
	_ =	sdelay $0x1  }
0x7b: {  	v1 =	vmul.f32 $1.442695020e+00, v1;
	_ =	sdelay $0x1  }
0x7c: {  	(erf) = vpow2.f32 v1;
	_ =	sdelay $0x8  }
0x7d: {  	v2 =	vmov s8;
	v1 =	vpop (erf)  }
0x7e: {  	s19 =	simm.s32 $0x50C0;
	[tilespmem:$0x78C0] =	vst v1  }
0x7f: {  	v5 =	vld [tilespmem:s19+$0x30]  }
0x80: {  	v8 =	vld [tilespmem:s19+$0x10]  }
0x81: {  	v6 =	vld [tilespmem:s19+$0xFFFFFFC0]  }
0x82: {  	v2 =	vld.idx.msk [tilespmem:v2+s29+$0x0], $0xffff  }
0x83: {  	v10 =	vld [tilespmem:s19+$0xFFFFFFE0]  }
0x84: {  	v1 =	vld [tilespmem:s19+$0xFFFFFFF0]  }
0x85: {  	v3 =	vld [tilespmem:s19+$0x20]  }
0x86: {  	v4 =	vld [tilespmem:s19+$0xFFFFFFD0]  }
0x87: {  	v9 =	vmul.f32 v5, v2;
	v5 =	vld [tilespmem:s19+$0x0]  }
0x88: {  	v7 =	vmul.f32 v6, v2  }
0x89: {  	s31 =	simm.s32 $0x50C0;
	s30 =	simm.s32 $0x1;
	v6 =	vmul.f32 v10, v2;
	v8 =	vmul.f32 v8, v2  }
.LBB2_3:
0x8a: {  	p0 =	sne.s32 s30, $0x4F  }
0x8b: {  	v4 =	vmul.f32 v4, v2;
	v3 =	vmul.f32 v3, v2;
	[tilespmem:s19+$0x30] =	vst v9;
	s31 =	sadd.s32 $0x80, s31;
	s8 =	smov.u32 s30;
	s30 =	sadd.s32 $0x1, s30  }
0x8c: {  	[tilespmem:s19+$0xFFFFFFC0] =	vst v7;
	v7 =	vmul.f32 v1, v2;
	v2 =	vmul.f32 v5, v2  }
0x8d: {  	[tilespmem:s19+$0x10] =	vst v8  }
0x8e: {  	v5 =	vmov s8;
	[tilespmem:s19+$0xFFFFFFE0] =	vst v6  }
0x8f: {  	v1 =	vld [tilespmem:s31+$0xFFFFFFF0];
	[tilespmem:s19+$0xFFFFFFF0] =	vst v7  }
0x90: {  	v6 =	vld [tilespmem:s31+$0x30];
	[tilespmem:s19+$0x0] =	vst v2  }
0x91: {  	v8 =	vld [tilespmem:s31+$0x10];
	[tilespmem:s19+$0x20] =	vst v3  }
0x92: {  	v7 =	vld [tilespmem:s31+$0xFFFFFFC0];
	[tilespmem:s19+$0xFFFFFFD0] =	vst v4;
	s19 =	smov.u32 s31  }
0x93: {  	v2 =	vld.idx.msk [tilespmem:v5+s29+$0x0], $0xffff  }
0x94: {  	v10 =	vld [tilespmem:s31+$0xFFFFFFE0]  }
0x95: {  	v3 =	vld [tilespmem:s31+$0x20]  }
.Ltmp0:
0x96: {  	v4 =	vld [tilespmem:s31+$0xFFFFFFD0];
	(pc) =	sbr.rel @p0 .LBB2_3-.Ltmp0, $3  }
0x97: {  	v5 =	vld [tilespmem:s31+$0x0];
	_ =	sdelay $0x1  }
0x98: {  	v7 =	vmul.f32 v7, v2;
	v9 =	vmul.f32 v6, v2  }
0x99: {  	v8 =	vmul.f32 v8, v2;
	v6 =	vmul.f32 v10, v2  }
0x9a: {  	[tilespmem:s19+$0x30] =	vst v9  }
0x9b: {  	[tilespmem:s19+$0xFFFFFFC0] =	vst v7  }
0x9c: {  	v1 =	vmul.f32 v1, v2;
	[tilespmem:s19+$0x10] =	vst v8  }
0x9d: {  	v3 =	vmul.f32 v3, v2;
	[tilespmem:s19+$0xFFFFFFE0] =	vst v6  }
0x9e: {  	v5 =	vmul.f32 v5, v2;
	[tilespmem:s19+$0xFFFFFFF0] =	vst v1  }
0x9f: {  	v1 =	vmul.f32 v4, v2;
	[tilespmem:s19+$0x20] =	vst v3  }
0xa0: {  	[tilespmem:s19+$0x0] =	vst v5  }
0xa1: {  	[tilespmem:s19+$0xFFFFFFD0] =	vst v1  }
0xa2: {  	[spmem:s2] =	stream.indirect.scatter.add.f32 [tilespmem:s26], [sflag:$0x2], $0x80, s23, s25, $0xb8;
	[tilespmem:$0x1BB80] =	vst v63  }
0xa3: {  	s4 =	sadd.s32 $0x1, s4;
	_ =	swait.ge [sflag:s17], $0x2800  }
0xa4: {  	p0 =	sne.s32 s4, $0x7D;
	[sflag:s17] =	ssyncset.done $0x0  }
.Ltmp1:
0xa5: {  	[sflag:s17] =	ssyncadd.s32 $0xFFFFD800;
	(pc) =	sbr.rel @p0 .LBB2_2-.Ltmp1, $4  }
0xa6: {  	[spmem:s3] =	stream.indirect.scatter.add.f32 [tilespmem:s29], [sflag:$0x2], $0x1, s23, s25, $0xb8;
	[tilespmem:$0x1BB80] =	vst v63  }
0xa7: {  	_ =	swait.ge [sflag:s17], $0x50  }
0xa8: {  	[sflag:s17] =	ssyncset.done $0x0  }
0xa9: {  	[sflag:s17] =	ssyncadd.s32 $0xFFFFFFB0  }
0xaa: {  	[bflag:$0x0] =	sbarrier.arrive $0xFFFF  }
0xab: {  	[hbm:s14], [sflag:s20] =	dma.local [spmem:s21], $0x2800  }
0xac: {  	s0 =	sadd.s32 $0x1, s0;
	_ =	swait.ge [sflag:s17], $0x2800  }
0xad: {  	s4 =	simm.s32 $0x20;
	p0 =	sne.s32 s0, s16;
	[sflag:s17] =	ssyncset.done $0x0  }
.Ltmp2:
0xae: {  	s8 =	simm.s32 $0x10;
	[sflag:s17] =	ssyncadd.s32 $0xFFFFD800;
	(pc) =	sbr.rel @p0 .LBB2_1-.Ltmp2, $4  }
0xaf: {  	[hbm:s15@s4], [sflag:s20] =	dma.strided [spmem:s22@s8], $0x50, s28, $0x10   }
0xb0: {  	_ =	swait.ge [sflag:s17], $0x50  }
0xb1: {  	[sflag:s17] =	ssyncset.done $0x0  }
0xb2: {  	[sflag:s17] =	ssyncadd.s32 $0xFFFFFFB0  }
0xb3: {  	_ =	sfence.sel $0x180000  }
0xb4: {  	[bflag:$0x0] =	sbarrier.arrive $0xFFFF  }
0xb5: {  	_ =	strace $0x90000047  }
0xb6: {  	s0 =	stileid.u32;
	[bflag:$0x2] =	sbarrier.arrive $0xFFFF  }
0xb7: {  	p0 =	sne.s32 s0, $0x0;
	s0 =	rddreg [dreg:$0x4]  }
0xb8: {  	s0 =	sadd.s32 @!p0 $0x100000, s0  }
0xb9: {  	[sflag:s0] =	ssyncadd.tile.s32 @!p0 $0x1;
	_ =	shalt  }
.Lfunc_end2:
_tile_overlayer_lowered:
.L_overlay_start_2:
0xba: {  	(tag) =	ssettag $0x2  }
0xbb: {  	s0 =	rddreg [dreg:$0x0];
	s2 =	stileid.u32  }
0xbc: {  	s1 =	rddreg [dreg:$0x1];
	p0 =	sne.s32 s2, $0x0  }
0xbd: {  	s3 =	rddreg [dreg:$0x2];
	[bflag:$0x3] =	sbarrier.arrive $0xFFFF;
	s2 =	simm.s32 @!p0 $0x1C02  }
0xbe: {  	[timem:s3], [sflag:s2] =	dma.local @!p0 [hbm:s0], s1  }
0xbf: {  	s0 =	simm.s32 @!p0 $0x2  }
0xc0: {  	_ =	swait.ge @!p0 [sflag:s0], s1  }
0xc1: {  	s1 =	ssub.s32 @!p0 $0x0, s1;
	[sflag:s0] =	ssyncset.done @!p0 $0x0  }
0xc2: {  	[sflag:s0] =	ssyncadd.s32 @!p0 s1  }
0xc3: {  	[bflag:$0x3] =	sbarrier.arrive $0xFFFF  }
0xc4: {  	_ =	shalt  }

</sc_bundles>
